<compile_context>
chip_gen: v7x
topology: tpu7x:2x2x1
jax: 0.10.2.dev20260603
libtpu: 0.0.44.dev20260713+nightly
codegen_flags: <defaults>
</compile_context>

<pallas_src>
import functools

import jax
import jax.numpy as jnp
from jax import lax
from jax.experimental import pallas as pl
from jax.experimental.pallas import tpu as pltpu
from jax.experimental.pallas import tpu_sc as plsc

_B = 16384
_IN = 256
_HID = 64
_OUT = 64
_K = 8192
_BETA = 0.25

_R1 = 1024
_R2 = 256

_DN = (((1,), (1,)), ((), ()))


def _mlp_body(x_ref, w0_ref, b0_ref, w1_ref, b1_ref, wmu_ref, bmu_ref, lat_ref):
    h = jax.nn.relu(lax.dot_general(x_ref[...], w0_ref[...], _DN) + b0_ref[...])
    h = jax.nn.relu(lax.dot_general(h, w1_ref[...], _DN) + b1_ref[...])
    lat_ref[...] = lax.dot_general(h, wmu_ref[...], _DN) + bmu_ref[...]


def _mlp(x, W0, b0, W1, b1, Wmu, bmu):
    return pl.pallas_call(
        _mlp_body,
        grid=(_B // _R1,),
        in_specs=[
            pl.BlockSpec((_R1, _IN), lambda i: (i, 0)),
            pl.BlockSpec((_HID, _IN), lambda i: (0, 0)),
            pl.BlockSpec((1, _HID), lambda i: (0, 0)),
            pl.BlockSpec((_OUT, _HID), lambda i: (0, 0)),
            pl.BlockSpec((1, _OUT), lambda i: (0, 0)),
            pl.BlockSpec((_OUT, _OUT), lambda i: (0, 0)),
            pl.BlockSpec((1, _OUT), lambda i: (0, 0)),
        ],
        out_specs=pl.BlockSpec((_R1, _OUT), lambda i: (i, 0)),
        out_shape=jax.ShapeDtypeStruct((_B, _OUT), jnp.float32),
    )(x, W0, b0, W1, b1, Wmu, bmu)


def _argmin_body(lat_ref, a_ref, b_ref, p_ref, idx_ref, minsum_ref):
    i = pl.program_id(0)
    c = lax.dot_general(lat_ref[...], p_ref[...], _DN)
    dists = (a_ref[...] + b_ref[...]) - 2.0 * c
    m = jnp.min(dists, axis=1, keepdims=True)
    iota = lax.broadcasted_iota(jnp.int32, dists.shape, 1)
    idx_ref[...] = jnp.min(jnp.where(dists == m, iota, _K), axis=1, keepdims=True)
    part = jnp.sum(m, axis=0, keepdims=True)

    @pl.when(i == 0)
    def _init():
        minsum_ref[...] = part

    @pl.when(i > 0)
    def _acc():
        minsum_ref[...] += part


def _argmin(latents, a, b, prototypes):
    return pl.pallas_call(
        _argmin_body,
        grid=(_B // _R2,),
        in_specs=[
            pl.BlockSpec((_R2, _OUT), lambda i: (i, 0)),
            pl.BlockSpec((_R2, 1), lambda i: (i, 0)),
            pl.BlockSpec((1, _K), lambda i: (0, 0)),
            pl.BlockSpec((_K, _OUT), lambda i: (0, 0)),
        ],
        out_specs=[
            pl.BlockSpec((_R2, 1), lambda i: (i, 0)),
            pl.BlockSpec((1, 1), lambda i: (0, 0)),
        ],
        out_shape=[
            jax.ShapeDtypeStruct((_B, 1), jnp.int32),
            jax.ShapeDtypeStruct((1, 1), jnp.float32),
        ],
    )(latents, a, b, prototypes)


_NC = 2
_NS = 16
_NW = _NC * _NS
_BPW = _B // _NW
_CH = 128
_GD = 128


def _gather_body(table_hbm, idx_hbm, out_hbm, idx_v, rows_v, sem):
    wid = lax.axis_index("s") * _NC + lax.axis_index("c")
    base = wid * _BPW
    pltpu.sync_copy(idx_hbm.at[pl.ds(base, _BPW)], idx_v)
    copies = [
        pltpu.async_copy(
            table_hbm.at[idx_v.at[pl.ds(j * _CH, _CH)]],
            rows_v.at[pl.ds(j * _CH, _CH), :],
            sem,
        )
        for j in range(_BPW // _CH)
    ]
    for cp in copies:
        cp.wait()
    pltpu.sync_copy(rows_v, out_hbm.at[pl.ds(base, _BPW)])


def _gather(table_padded, closest):
    mesh = plsc.VectorSubcoreMesh(core_axis_name="c", subcore_axis_name="s")
    run = functools.partial(
        pl.kernel,
        out_type=jax.ShapeDtypeStruct((_B, _GD), jnp.float32),
        mesh=mesh,
        scratch_types=[
            pltpu.VMEM((_BPW,), jnp.int32),
            pltpu.VMEM((_BPW, _GD), jnp.float32),
            pltpu.SemaphoreType.DMA,
        ],
    )(_gather_body)
    return run(table_padded, closest)


def kernel(x, W0, b0, W1, b1, Wmu, bmu, prototypes):
    latents = _mlp(x, W0, b0.reshape(1, _HID), W1, b1.reshape(1, _HID),
                   Wmu, bmu.reshape(1, _OUT))
    a = jnp.sum(latents ** 2, axis=1, keepdims=True)
    b = jnp.sum(prototypes ** 2, axis=1).reshape(1, _K)
    closest2d, minsum = _argmin(latents, a, b, prototypes)
    table_padded = jnp.pad(prototypes, ((0, 0), (0, _GD - _OUT)))
    quantized = _gather(table_padded, closest2d.reshape(_B))[:, :_OUT]
    m = minsum[0, 0] / jnp.float32(_B * _OUT)
    vq_loss = m * _BETA + m
    quantized_st = latents + (quantized - latents)
    capacity = jnp.asarray(0.0, dtype=jnp.float32)
    return quantized_st, vq_loss, capacity

# --- scband reference (transcript-rebuilt; emitter-appended) ---
"""Pipeline reference for scband-vq-30442728194288 (READ-ONLY COPY).

The authoritative reference and input builder live on the scoring server;
editing this copy changes nothing except your own understanding.
"""

import jax, jax.numpy as jnp
import numpy as np

B = 16384
IN_DIM = 256
HID = 64
OUT_DIM = 64
K = 8192
BETA = 0.25


def setup_inputs(seed: int = 0) -> dict:
    key = jax.random.key(seed)
    ks = jax.random.split(key, 8)
    x = jax.random.normal(ks[0], (B, IN_DIM), dtype=jnp.float32)
    lim0 = 1.0 / np.sqrt(IN_DIM)
    W0 = jax.random.uniform(ks[1], (HID, IN_DIM), minval=-lim0, maxval=lim0, dtype=jnp.float32)
    b0 = jax.random.uniform(ks[2], (HID,), minval=-lim0, maxval=lim0, dtype=jnp.float32)
    lim1 = 1.0 / np.sqrt(HID)
    W1 = jax.random.uniform(ks[3], (OUT_DIM, HID), minval=-lim1, maxval=lim1, dtype=jnp.float32)
    b1 = jax.random.uniform(ks[4], (OUT_DIM,), minval=-lim1, maxval=lim1, dtype=jnp.float32)
    limmu = 1.0 / np.sqrt(OUT_DIM)
    Wmu = jax.random.uniform(ks[5], (OUT_DIM, OUT_DIM), minval=-limmu, maxval=limmu, dtype=jnp.float32)
    bmu = jax.random.uniform(ks[6], (OUT_DIM,), minval=-limmu, maxval=limmu, dtype=jnp.float32)
    prototypes = jax.random.uniform(ks[7], (K, OUT_DIM), minval=-1.0 / K, maxval=1.0 / K, dtype=jnp.float32)
    return {"x": x, "W0": W0, "b0": b0, "W1": W1, "b1": b1, "Wmu": Wmu, "bmu": bmu, "prototypes": prototypes}


def reference(x, W0, b0, W1, b1, Wmu, bmu, prototypes):
    # MLP encoder: num_layers=2 linear+relu stack
    h = jax.nn.relu(jnp.dot(x, W0.T) + b0)
    h = jax.nn.relu(jnp.dot(h, W1.T) + b1)
    # fc_mu
    latents = jnp.dot(h, Wmu.T) + bmu
    # VQLayer (sample=False path)
    dists = (jnp.sum(latents ** 2, axis=1, keepdims=True)
             + jnp.sum(prototypes ** 2, axis=1)
             - 2.0 * jnp.dot(latents, prototypes.T))
    closest = jnp.argmin(dists, axis=1)
    encoding_one_hot = jnp.zeros((latents.shape[0], K), dtype=latents.dtype).at[jnp.arange(latents.shape[0]), closest].set(1.0)
    quantized = jnp.dot(encoding_one_hot, prototypes)
    commitment_loss = jnp.mean((jax.lax.stop_gradient(quantized) - latents) ** 2)
    embedding_loss = jnp.mean((quantized - jax.lax.stop_gradient(latents)) ** 2)
    vq_loss = commitment_loss * BETA + embedding_loss
    # categorical entropy
    logdist = jax.nn.log_softmax(-dists, axis=1)
    soft_dist = jnp.mean(jnp.exp(logdist), axis=0) + 1e-08
    soft_dist = soft_dist / jnp.sum(soft_dist)
    ent = jnp.sum(-soft_dist * jnp.log(soft_dist))
    # straight-through estimator
    quantized_st = latents + jax.lax.stop_gradient(quantized - latents)
    capacity = jnp.asarray(0.0, dtype=jnp.float32)
    # VQ.forward (non-variational) returns (output, total_loss, capacity); ent is discarded
    del ent
    return (quantized_st, vq_loss, capacity)

if __name__ == "__main__":
    import jax
    _d = setup_inputs()
    print(jax.jit(kernel)(*tuple(_d.values())))

</pallas_src>

<mosaic_0001>
#map = affine_map<(d0, d1) -> (0, 0)>
#map1 = affine_map<(d0, d1) -> (0)>
module attributes {stable_mosaic.version = 14 : i64} {
  func.func @_gather_body(%arg0: i32, %arg1: i32, %arg2: memref<8192x128xf32, #tpu.memory_space<hbm>>, %arg3: memref<16384xi32, #tpu.memory_space<hbm>>, %arg4: memref<16384x128xf32, #tpu.memory_space<hbm>>, %arg5: memref<512xi32, #tpu.memory_space<vmem>>, %arg6: memref<512x128xf32, #tpu.memory_space<vmem>>, %arg7: memref<!tpu.dma_semaphore, #tpu.memory_space<semaphore_mem>>) attributes {dimension_semantics = [#tpu.dimension_semantics<core_parallel>, #tpu.dimension_semantics<subcore_parallel>], iteration_bounds = array<i64: 2, 16>, scalar_prefetch = 0 : i64, scratch_operands = 3 : i64, tpu.core_type = #tpu.core_type<sc_vector_subcore>, window_params = [{transform_indices = #map}, {transform_indices = #map1}, {transform_indices = #map}]} {
    %mul3A = arith.constant 2 : i32
    %mul3A_0 = arith.muli %arg1, %mul3A : i32
    %add3A = arith.addi %mul3A_0, %arg0 : i32
    %mul3A_1 = arith.constant 512 : i32
    %mul3A_2 = arith.muli %add3A, %mul3A_1 : i32
    "tpu.region"() ({
      %run_scoped3A = tpu.sem_alloc : memref<!tpu.dma_semaphore, #tpu.memory_space<semaphore_mem>>
      %dma_start3A_65 = tpu.memref_slice %arg3[%mul3A_2] : memref<16384xi32, #tpu.memory_space<hbm>> -> memref<512xi32, #tpu.memory_space<hbm>>
      %dma_start3A_66 = tpu.memref_slice %arg3[%mul3A_2] : memref<16384xi32, #tpu.memory_space<hbm>> -> memref<512xi32, #tpu.memory_space<hbm>>
      tpu.enqueue_dma source(%dma_start3A_66 : memref<512xi32, #tpu.memory_space<hbm>>) target(%arg5 : memref<512xi32, #tpu.memory_space<vmem>>) target_semaphore(%run_scoped3A : memref<!tpu.dma_semaphore, #tpu.memory_space<semaphore_mem>>)
      %dma_wait3A_67 = tpu.memref_slice %arg3[%mul3A_2] : memref<16384xi32, #tpu.memory_space<hbm>> -> memref<512xi32, #tpu.memory_space<hbm>>
      %dma_wait3A_68 = tpu.memref_slice %arg3[%mul3A_2] : memref<16384xi32, #tpu.memory_space<hbm>> -> memref<512xi32, #tpu.memory_space<hbm>>
      tpu.wait_dma2 semaphore(%run_scoped3A : memref<!tpu.dma_semaphore, #tpu.memory_space<semaphore_mem>>) src(%dma_wait3A_68 : memref<512xi32, #tpu.memory_space<hbm>>) dst(%arg5 : memref<512xi32, #tpu.memory_space<vmem>>)
      tpu.yield
    }) : () -> ()
    %dma_start3A = arith.constant 0 : i32
    %dma_start3A_3 = arith.constant 0 : i32
    %dma_start3A_4 = tpu.memref_slice %arg6[%dma_start3A, %dma_start3A_3] : memref<512x128xf32, #tpu.memory_space<vmem>> -> memref<128x128xf32, #tpu.memory_space<vmem>>
    %dma_start3A_5 = arith.constant 0 : i32
    %dma_start3A_6 = tpu.memref_slice %arg5[%dma_start3A_5] : memref<512xi32, #tpu.memory_space<vmem>> -> memref<128xi32, #tpu.memory_space<vmem>>
    %dma_start3A_7 = arith.constant 0 : i32
    %dma_start3A_8 = arith.constant 0 : i32
    %dma_start3A_9 = tpu.memref_slice %arg2[%dma_start3A_7, %dma_start3A_8] : memref<8192x128xf32, #tpu.memory_space<hbm>> -> memref<8192x128xf32, #tpu.memory_space<hbm>>
    tpu.enqueue_indirect_dma source(%dma_start3A_9 : memref<8192x128xf32, #tpu.memory_space<hbm>>) target(%dma_start3A_4 : memref<128x128xf32, #tpu.memory_space<vmem>>) offsets(%dma_start3A_6 : memref<128xi32, #tpu.memory_space<vmem>>) semaphore(%arg7 : memref<!tpu.dma_semaphore, #tpu.memory_space<semaphore_mem>>)
    %dma_start3A_10 = arith.constant 128 : i32
    %dma_start3A_11 = arith.constant 0 : i32
    %dma_start3A_12 = tpu.memref_slice %arg6[%dma_start3A_10, %dma_start3A_11] : memref<512x128xf32, #tpu.memory_space<vmem>> -> memref<128x128xf32, #tpu.memory_space<vmem>>
    %dma_start3A_13 = arith.constant 128 : i32
    %dma_start3A_14 = tpu.memref_slice %arg5[%dma_start3A_13] : memref<512xi32, #tpu.memory_space<vmem>> -> memref<128xi32, #tpu.memory_space<vmem>>
    %dma_start3A_15 = arith.constant 0 : i32
    %dma_start3A_16 = arith.constant 0 : i32
    %dma_start3A_17 = tpu.memref_slice %arg2[%dma_start3A_15, %dma_start3A_16] : memref<8192x128xf32, #tpu.memory_space<hbm>> -> memref<8192x128xf32, #tpu.memory_space<hbm>>
    tpu.enqueue_indirect_dma source(%dma_start3A_17 : memref<8192x128xf32, #tpu.memory_space<hbm>>) target(%dma_start3A_12 : memref<128x128xf32, #tpu.memory_space<vmem>>) offsets(%dma_start3A_14 : memref<128xi32, #tpu.memory_space<vmem>>) semaphore(%arg7 : memref<!tpu.dma_semaphore, #tpu.memory_space<semaphore_mem>>)
    %dma_start3A_18 = arith.constant 256 : i32
    %dma_start3A_19 = arith.constant 0 : i32
    %dma_start3A_20 = tpu.memref_slice %arg6[%dma_start3A_18, %dma_start3A_19] : memref<512x128xf32, #tpu.memory_space<vmem>> -> memref<128x128xf32, #tpu.memory_space<vmem>>
    %dma_start3A_21 = arith.constant 256 : i32
    %dma_start3A_22 = tpu.memref_slice %arg5[%dma_start3A_21] : memref<512xi32, #tpu.memory_space<vmem>> -> memref<128xi32, #tpu.memory_space<vmem>>
    %dma_start3A_23 = arith.constant 0 : i32
    %dma_start3A_24 = arith.constant 0 : i32
    %dma_start3A_25 = tpu.memref_slice %arg2[%dma_start3A_23, %dma_start3A_24] : memref<8192x128xf32, #tpu.memory_space<hbm>> -> memref<8192x128xf32, #tpu.memory_space<hbm>>
    tpu.enqueue_indirect_dma source(%dma_start3A_25 : memref<8192x128xf32, #tpu.memory_space<hbm>>) target(%dma_start3A_20 : memref<128x128xf32, #tpu.memory_space<vmem>>) offsets(%dma_start3A_22 : memref<128xi32, #tpu.memory_space<vmem>>) semaphore(%arg7 : memref<!tpu.dma_semaphore, #tpu.memory_space<semaphore_mem>>)
    %dma_start3A_26 = arith.constant 384 : i32
    %dma_start3A_27 = arith.constant 0 : i32
    %dma_start3A_28 = tpu.memref_slice %arg6[%dma_start3A_26, %dma_start3A_27] : memref<512x128xf32, #tpu.memory_space<vmem>> -> memref<128x128xf32, #tpu.memory_space<vmem>>
    %dma_start3A_29 = arith.constant 384 : i32
    %dma_start3A_30 = tpu.memref_slice %arg5[%dma_start3A_29] : memref<512xi32, #tpu.memory_space<vmem>> -> memref<128xi32, #tpu.memory_space<vmem>>
    %dma_start3A_31 = arith.constant 0 : i32
    %dma_start3A_32 = arith.constant 0 : i32
    %dma_start3A_33 = tpu.memref_slice %arg2[%dma_start3A_31, %dma_start3A_32] : memref<8192x128xf32, #tpu.memory_space<hbm>> -> memref<8192x128xf32, #tpu.memory_space<hbm>>
    tpu.enqueue_indirect_dma source(%dma_start3A_33 : memref<8192x128xf32, #tpu.memory_space<hbm>>) target(%dma_start3A_28 : memref<128x128xf32, #tpu.memory_space<vmem>>) offsets(%dma_start3A_30 : memref<128xi32, #tpu.memory_space<vmem>>) semaphore(%arg7 : memref<!tpu.dma_semaphore, #tpu.memory_space<semaphore_mem>>)
    %dma_wait3A = arith.constant 0 : i32
    %dma_wait3A_34 = arith.constant 0 : i32
    %dma_wait3A_35 = tpu.memref_slice %arg6[%dma_wait3A, %dma_wait3A_34] : memref<512x128xf32, #tpu.memory_space<vmem>> -> memref<128x128xf32, #tpu.memory_space<vmem>>
    %dma_wait3A_36 = arith.constant 0 : i32
    %dma_wait3A_37 = tpu.memref_slice %arg5[%dma_wait3A_36] : memref<512xi32, #tpu.memory_space<vmem>> -> memref<128xi32, #tpu.memory_space<vmem>>
    %dma_wait3A_38 = arith.constant 0 : i32
    %dma_wait3A_39 = arith.constant 0 : i32
    %dma_wait3A_40 = tpu.memref_slice %arg2[%dma_wait3A_38, %dma_wait3A_39] : memref<8192x128xf32, #tpu.memory_space<hbm>> -> memref<8192x128xf32, #tpu.memory_space<hbm>>
    tpu.wait_indirect_dma semaphore(%arg7 : memref<!tpu.dma_semaphore, #tpu.memory_space<semaphore_mem>>) src(%dma_wait3A_40 : memref<8192x128xf32, #tpu.memory_space<hbm>>) dst(%dma_wait3A_35 : memref<128x128xf32, #tpu.memory_space<vmem>>)
    %dma_wait3A_41 = arith.constant 128 : i32
    %dma_wait3A_42 = arith.constant 0 : i32
    %dma_wait3A_43 = tpu.memref_slice %arg6[%dma_wait3A_41, %dma_wait3A_42] : memref<512x128xf32, #tpu.memory_space<vmem>> -> memref<128x128xf32, #tpu.memory_space<vmem>>
    %dma_wait3A_44 = arith.constant 128 : i32
    %dma_wait3A_45 = tpu.memref_slice %arg5[%dma_wait3A_44] : memref<512xi32, #tpu.memory_space<vmem>> -> memref<128xi32, #tpu.memory_space<vmem>>
    %dma_wait3A_46 = arith.constant 0 : i32
    %dma_wait3A_47 = arith.constant 0 : i32
    %dma_wait3A_48 = tpu.memref_slice %arg2[%dma_wait3A_46, %dma_wait3A_47] : memref<8192x128xf32, #tpu.memory_space<hbm>> -> memref<8192x128xf32, #tpu.memory_space<hbm>>
    tpu.wait_indirect_dma semaphore(%arg7 : memref<!tpu.dma_semaphore, #tpu.memory_space<semaphore_mem>>) src(%dma_wait3A_48 : memref<8192x128xf32, #tpu.memory_space<hbm>>) dst(%dma_wait3A_43 : memref<128x128xf32, #tpu.memory_space<vmem>>)
    %dma_wait3A_49 = arith.constant 256 : i32
    %dma_wait3A_50 = arith.constant 0 : i32
    %dma_wait3A_51 = tpu.memref_slice %arg6[%dma_wait3A_49, %dma_wait3A_50] : memref<512x128xf32, #tpu.memory_space<vmem>> -> memref<128x128xf32, #tpu.memory_space<vmem>>
    %dma_wait3A_52 = arith.constant 256 : i32
    %dma_wait3A_53 = tpu.memref_slice %arg5[%dma_wait3A_52] : memref<512xi32, #tpu.memory_space<vmem>> -> memref<128xi32, #tpu.memory_space<vmem>>
    %dma_wait3A_54 = arith.constant 0 : i32
    %dma_wait3A_55 = arith.constant 0 : i32
    %dma_wait3A_56 = tpu.memref_slice %arg2[%dma_wait3A_54, %dma_wait3A_55] : memref<8192x128xf32, #tpu.memory_space<hbm>> -> memref<8192x128xf32, #tpu.memory_space<hbm>>
    tpu.wait_indirect_dma semaphore(%arg7 : memref<!tpu.dma_semaphore, #tpu.memory_space<semaphore_mem>>) src(%dma_wait3A_56 : memref<8192x128xf32, #tpu.memory_space<hbm>>) dst(%dma_wait3A_51 : memref<128x128xf32, #tpu.memory_space<vmem>>)
    %dma_wait3A_57 = arith.constant 384 : i32
    %dma_wait3A_58 = arith.constant 0 : i32
    %dma_wait3A_59 = tpu.memref_slice %arg6[%dma_wait3A_57, %dma_wait3A_58] : memref<512x128xf32, #tpu.memory_space<vmem>> -> memref<128x128xf32, #tpu.memory_space<vmem>>
    %dma_wait3A_60 = arith.constant 384 : i32
    %dma_wait3A_61 = tpu.memref_slice %arg5[%dma_wait3A_60] : memref<512xi32, #tpu.memory_space<vmem>> -> memref<128xi32, #tpu.memory_space<vmem>>
    %dma_wait3A_62 = arith.constant 0 : i32
    %dma_wait3A_63 = arith.constant 0 : i32
    %dma_wait3A_64 = tpu.memref_slice %arg2[%dma_wait3A_62, %dma_wait3A_63] : memref<8192x128xf32, #tpu.memory_space<hbm>> -> memref<8192x128xf32, #tpu.memory_space<hbm>>
    tpu.wait_indirect_dma semaphore(%arg7 : memref<!tpu.dma_semaphore, #tpu.memory_space<semaphore_mem>>) src(%dma_wait3A_64 : memref<8192x128xf32, #tpu.memory_space<hbm>>) dst(%dma_wait3A_59 : memref<128x128xf32, #tpu.memory_space<vmem>>)
    "tpu.region"() ({
      %run_scoped3A = tpu.sem_alloc : memref<!tpu.dma_semaphore, #tpu.memory_space<semaphore_mem>>
      %dma_start3A_65 = arith.constant 0 : i32
      %dma_start3A_66 = tpu.memref_slice %arg4[%mul3A_2, %dma_start3A_65] : memref<16384x128xf32, #tpu.memory_space<hbm>> -> memref<512x128xf32, #tpu.memory_space<hbm>>
      %dma_start3A_67 = arith.constant 0 : i32
      %dma_start3A_68 = tpu.memref_slice %arg4[%mul3A_2, %dma_start3A_67] : memref<16384x128xf32, #tpu.memory_space<hbm>> -> memref<512x128xf32, #tpu.memory_space<hbm>>
      tpu.enqueue_dma source(%arg6 : memref<512x128xf32, #tpu.memory_space<vmem>>) target(%dma_start3A_68 : memref<512x128xf32, #tpu.memory_space<hbm>>) target_semaphore(%run_scoped3A : memref<!tpu.dma_semaphore, #tpu.memory_space<semaphore_mem>>)
      %dma_wait3A_69 = arith.constant 0 : i32
      %dma_wait3A_70 = tpu.memref_slice %arg4[%mul3A_2, %dma_wait3A_69] : memref<16384x128xf32, #tpu.memory_space<hbm>> -> memref<512x128xf32, #tpu.memory_space<hbm>>
      %dma_wait3A_71 = arith.constant 0 : i32
      %dma_wait3A_72 = tpu.memref_slice %arg4[%mul3A_2, %dma_wait3A_71] : memref<16384x128xf32, #tpu.memory_space<hbm>> -> memref<512x128xf32, #tpu.memory_space<hbm>>
      tpu.wait_dma2 semaphore(%run_scoped3A : memref<!tpu.dma_semaphore, #tpu.memory_space<semaphore_mem>>) src(%arg6 : memref<512x128xf32, #tpu.memory_space<vmem>>) dst(%dma_wait3A_72 : memref<512x128xf32, #tpu.memory_space<hbm>>)
      tpu.yield
    }) : () -> ()
    return
  }
}

module attributes {stable_mosaic.version = 14 : i64} {
  func.func @_mlp_body(%arg0: i32, %arg1: memref<1024x256xf32, #tpu.memory_space<vmem>>, %arg2: memref<64x256xf32, #tpu.memory_space<vmem>>, %arg3: memref<1x64xf32, #tpu.memory_space<vmem>>, %arg4: memref<64x64xf32, #tpu.memory_space<vmem>>, %arg5: memref<1x64xf32, #tpu.memory_space<vmem>>, %arg6: memref<64x64xf32, #tpu.memory_space<vmem>>, %arg7: memref<1x64xf32, #tpu.memory_space<vmem>>, %arg8: memref<1024x64xf32, #tpu.memory_space<vmem>>) attributes {dimension_semantics = [#tpu.dimension_semantics<arbitrary>], iteration_bounds = array<i64: 16>, scalar_prefetch = 0 : i64, scratch_operands = 0 : i64, tpu.core_type = #tpu.core_type<tc>, window_params = [{transform_indices = @transform_0, window_bounds = array<i64: 1024, 256>}, {pipeline_mode = #tpu.pipeline_mode<synchronous>, transform_indices = @transform_1, window_bounds = array<i64: 64, 256>}, {pipeline_mode = #tpu.pipeline_mode<synchronous>, transform_indices = @transform_2, window_bounds = array<i64: 1, 64>}, {pipeline_mode = #tpu.pipeline_mode<synchronous>, transform_indices = @transform_3, window_bounds = array<i64: 64, 64>}, {pipeline_mode = #tpu.pipeline_mode<synchronous>, transform_indices = @transform_4, window_bounds = array<i64: 1, 64>}, {pipeline_mode = #tpu.pipeline_mode<synchronous>, transform_indices = @transform_5, window_bounds = array<i64: 64, 64>}, {pipeline_mode = #tpu.pipeline_mode<synchronous>, transform_indices = @transform_6, window_bounds = array<i64: 1, 64>}, {transform_indices = @transform_7, window_bounds = array<i64: 1024, 64>}]} {
    %get3A = arith.constant 0 : index
    %get3A_0 = arith.constant 0 : index
    %get3A_1 = vector.load %arg1[%get3A, %get3A_0] : memref<1024x256xf32, #tpu.memory_space<vmem>>, vector<1024x256xf32>
    %get3A_2 = arith.constant 0 : index
    %get3A_3 = arith.constant 0 : index
    %get3A_4 = vector.load %arg2[%get3A_2, %get3A_3] : memref<64x256xf32, #tpu.memory_space<vmem>>, vector<64x256xf32>
    %dot_general3A = arith.constant dense<0.000000e+00> : vector<1024x64xf32>
    %dot_general3A_5 = tpu.matmul %get3A_1, %get3A_4, %dot_general3A {dimension_numbers = #tpu.dot_dimension_numbers<[1], [1], [0], [0], [0, 0, 1, 0], [], []>, transpose_lhs_hint = false} : vector<1024x256xf32>, vector<64x256xf32>, vector<1024x64xf32> -> vector<1024x64xf32>
    %get3A_6 = arith.constant 0 : index
    %get3A_7 = arith.constant 0 : index
    %get3A_8 = vector.load %arg3[%get3A_6, %get3A_7] : memref<1x64xf32, #tpu.memory_space<vmem>>, vector<1x64xf32>
    %add3A = vector.broadcast %get3A_8 : vector<1x64xf32> to vector<1024x64xf32>
    %add3A_9 = arith.addf %dot_general3A_5, %add3A : vector<1024x64xf32>
    %max3A = arith.constant 0.000000e+00 : f32
    %max3A_10 = vector.broadcast %max3A : f32 to vector<1024x64xf32>
    %max3A_11 = arith.maximumf %add3A_9, %max3A_10 : vector<1024x64xf32>
    %get3A_12 = arith.constant 0 : index
    %get3A_13 = arith.constant 0 : index
    %get3A_14 = vector.load %arg4[%get3A_12, %get3A_13] : memref<64x64xf32, #tpu.memory_space<vmem>>, vector<64x64xf32>
    %dot_general3A_15 = arith.constant dense<0.000000e+00> : vector<1024x64xf32>
    %dot_general3A_16 = tpu.matmul %max3A_11, %get3A_14, %dot_general3A_15 {dimension_numbers = #tpu.dot_dimension_numbers<[1], [1], [0], [0], [0, 0, 1, 0], [], []>, transpose_lhs_hint = false} : vector<1024x64xf32>, vector<64x64xf32>, vector<1024x64xf32> -> vector<1024x64xf32>
    %get3A_17 = arith.constant 0 : index
    %get3A_18 = arith.constant 0 : index
    %get3A_19 = vector.load %arg5[%get3A_17, %get3A_18] : memref<1x64xf32, #tpu.memory_space<vmem>>, vector<1x64xf32>
    %add3A_20 = vector.broadcast %get3A_19 : vector<1x64xf32> to vector<1024x64xf32>
    %add3A_21 = arith.addf %dot_general3A_16, %add3A_20 : vector<1024x64xf32>
    %max3A_22 = arith.constant 0.000000e+00 : f32
    %max3A_23 = vector.broadcast %max3A_22 : f32 to vector<1024x64xf32>
    %max3A_24 = arith.maximumf %add3A_21, %max3A_23 : vector<1024x64xf32>
    %get3A_25 = arith.constant 0 : index
    %get3A_26 = arith.constant 0 : index
    %get3A_27 = vector.load %arg6[%get3A_25, %get3A_26] : memref<64x64xf32, #tpu.memory_space<vmem>>, vector<64x64xf32>
    %dot_general3A_28 = arith.constant dense<0.000000e+00> : vector<1024x64xf32>
    %dot_general3A_29 = tpu.matmul %max3A_24, %get3A_27, %dot_general3A_28 {dimension_numbers = #tpu.dot_dimension_numbers<[1], [1], [0], [0], [0, 0, 1, 0], [], []>, transpose_lhs_hint = false} : vector<1024x64xf32>, vector<64x64xf32>, vector<1024x64xf32> -> vector<1024x64xf32>
    %get3A_30 = arith.constant 0 : index
    %get3A_31 = arith.constant 0 : index
    %get3A_32 = vector.load %arg7[%get3A_30, %get3A_31] : memref<1x64xf32, #tpu.memory_space<vmem>>, vector<1x64xf32>
    %add3A_33 = vector.broadcast %get3A_32 : vector<1x64xf32> to vector<1024x64xf32>
    %add3A_34 = arith.addf %dot_general3A_29, %add3A_33 : vector<1024x64xf32>
    %swap3A = arith.constant 0 : index
    %swap3A_35 = arith.constant 0 : index
    %swap3A_36 = vector.load %arg8[%swap3A, %swap3A_35] : memref<1024x64xf32, #tpu.memory_space<vmem>>, vector<1024x64xf32>
    tpu.vector_store %arg8[%swap3A, %swap3A_35], %add3A_34 {strides = array<i32>} : memref<1024x64xf32, #tpu.memory_space<vmem>>, vector<1024x64xf32>,
    return
  }
  func.func @transform_0(%arg0: i32) -> (i32, i32) {
    %c0_i32 = arith.constant 0 : i32
    %c0_i32_0 = arith.constant 0 : i32
    return %arg0, %c0_i32 : i32, i32
  }
  func.func @transform_1(%arg0: i32) -> (i32, i32) {
    %c0_i32 = arith.constant 0 : i32
    %c0_i32_0 = arith.constant 0 : i32
    %c0_i32_1 = arith.constant 0 : i32
    return %c0_i32, %c0_i32_0 : i32, i32
  }
  func.func @transform_2(%arg0: i32) -> (i32, i32) {
    %c0_i32 = arith.constant 0 : i32
    %c0_i32_0 = arith.constant 0 : i32
    %c0_i32_1 = arith.constant 0 : i32
    return %c0_i32, %c0_i32_0 : i32, i32
  }
  func.func @transform_3(%arg0: i32) -> (i32, i32) {
    %c0_i32 = arith.constant 0 : i32
    %c0_i32_0 = arith.constant 0 : i32
    %c0_i32_1 = arith.constant 0 : i32
    return %c0_i32, %c0_i32_0 : i32, i32
  }
  func.func @transform_4(%arg0: i32) -> (i32, i32) {
    %c0_i32 = arith.constant 0 : i32
    %c0_i32_0 = arith.constant 0 : i32
    %c0_i32_1 = arith.constant 0 : i32
    return %c0_i32, %c0_i32_0 : i32, i32
  }
  func.func @transform_5(%arg0: i32) -> (i32, i32) {
    %c0_i32 = arith.constant 0 : i32
    %c0_i32_0 = arith.constant 0 : i32
    %c0_i32_1 = arith.constant 0 : i32
    return %c0_i32, %c0_i32_0 : i32, i32
  }
  func.func @transform_6(%arg0: i32) -> (i32, i32) {
    %c0_i32 = arith.constant 0 : i32
    %c0_i32_0 = arith.constant 0 : i32
    %c0_i32_1 = arith.constant 0 : i32
    return %c0_i32, %c0_i32_0 : i32, i32
  }
  func.func @transform_7(%arg0: i32) -> (i32, i32) {
    %c0_i32 = arith.constant 0 : i32
    %c0_i32_0 = arith.constant 0 : i32
    return %arg0, %c0_i32 : i32, i32
  }
}

module attributes {stable_mosaic.version = 14 : i64} {
  func.func @_argmin_body(%arg0: i32, %arg1: memref<256x64xf32, #tpu.memory_space<vmem>>, %arg2: memref<256x1xf32, #tpu.memory_space<vmem>>, %arg3: memref<1x8192xf32, #tpu.memory_space<vmem>>, %arg4: memref<8192x64xf32, #tpu.memory_space<vmem>>, %arg5: memref<256x1xi32, #tpu.memory_space<vmem>>, %arg6: memref<1x1xf32, #tpu.memory_space<vmem>>) attributes {dimension_semantics = [#tpu.dimension_semantics<arbitrary>], iteration_bounds = array<i64: 64>, scalar_prefetch = 0 : i64, scratch_operands = 0 : i64, tpu.core_type = #tpu.core_type<tc>, window_params = [{transform_indices = @transform_0, window_bounds = array<i64: 256, 64>}, {transform_indices = @transform_1, window_bounds = array<i64: 256, 1>}, {pipeline_mode = #tpu.pipeline_mode<synchronous>, transform_indices = @transform_2, window_bounds = array<i64: 1, 8192>}, {pipeline_mode = #tpu.pipeline_mode<synchronous>, transform_indices = @transform_3, window_bounds = array<i64: 8192, 64>}, {transform_indices = @transform_4, window_bounds = array<i64: 256, 1>}, {pipeline_mode = #tpu.pipeline_mode<synchronous>, transform_indices = @transform_5, window_bounds = array<i64: 1, 1>}]} {
    %get3A = arith.constant 0 : index
    %get3A_0 = arith.constant 0 : index
    %get3A_1 = vector.load %arg1[%get3A, %get3A_0] : memref<256x64xf32, #tpu.memory_space<vmem>>, vector<256x64xf32>
    %get3A_2 = arith.constant 0 : index
    %get3A_3 = arith.constant 0 : index
    %get3A_4 = vector.load %arg4[%get3A_2, %get3A_3] : memref<8192x64xf32, #tpu.memory_space<vmem>>, vector<8192x64xf32>
    %dot_general3A = arith.constant dense<0.000000e+00> : vector<256x8192xf32>
    %dot_general3A_5 = tpu.matmul %get3A_1, %get3A_4, %dot_general3A {dimension_numbers = #tpu.dot_dimension_numbers<[1], [1], [0], [0], [0, 0, 1, 0], [], []>, transpose_lhs_hint = false} : vector<256x64xf32>, vector<8192x64xf32>, vector<256x8192xf32> -> vector<256x8192xf32>
    %get3A_6 = arith.constant 0 : index
    %get3A_7 = arith.constant 0 : index
    %get3A_8 = vector.load %arg2[%get3A_6, %get3A_7] : memref<256x1xf32, #tpu.memory_space<vmem>>, vector<256x1xf32>
    %get3A_9 = arith.constant 0 : index
    %get3A_10 = arith.constant 0 : index
    %get3A_11 = vector.load %arg3[%get3A_9, %get3A_10] : memref<1x8192xf32, #tpu.memory_space<vmem>>, vector<1x8192xf32>
    %add3A = vector.broadcast %get3A_8 : vector<256x1xf32> to vector<256x8192xf32>
    %add3A_12 = vector.broadcast %get3A_11 : vector<1x8192xf32> to vector<256x8192xf32>
    %add3A_13 = arith.addf %add3A, %add3A_12 : vector<256x8192xf32>
    %mul3A = arith.constant 2.000000e+00 : f32
    %mul3A_14 = vector.broadcast %mul3A : f32 to vector<256x8192xf32>
    %mul3A_15 = arith.mulf %mul3A_14, %dot_general3A_5 : vector<256x8192xf32>
    %sub3A = arith.subf %add3A_13, %mul3A_15 : vector<256x8192xf32>
    %reduce_min3A = arith.constant dense<0x7F800000> : vector<256xf32>
    %reduce_min3A_16 = vector.multi_reduction <minimumf>, %sub3A, %reduce_min3A [1] : vector<256x8192xf32> to vector<256xf32>
    %broadcast_in_dim3A = vector.shape_cast %reduce_min3A_16 : vector<256xf32> to vector<256x1xf32>
    %iota3A = tpu.iota {dimensions = array<i32: 1>} : vector<256x8192xi32>
    %eq3A = vector.broadcast %broadcast_in_dim3A : vector<256x1xf32> to vector<256x8192xf32>
    %eq3A_17 = arith.cmpf oeq, %sub3A, %eq3A : vector<256x8192xf32>
    %jit3A = arith.constant 8192 : i32
    %broadcast_in_dim3A_18 = vector.broadcast %jit3A : i32 to vector<256x8192xi32>
    %select_n3A = arith.select %eq3A_17, %iota3A, %broadcast_in_dim3A_18 : vector<256x8192xi1>, vector<256x8192xi32>
    %reduce_min3A_19 = arith.constant dense<2147483647> : vector<256xi32>
    %reduce_min3A_20 = vector.multi_reduction <minsi>, %select_n3A, %reduce_min3A_19 [1] : vector<256x8192xi32> to vector<256xi32>
    %broadcast_in_dim3A_21 = vector.shape_cast %reduce_min3A_20 : vector<256xi32> to vector<256x1xi32>
    %swap3A = arith.constant 0 : index
    %swap3A_22 = arith.constant 0 : index
    %swap3A_23 = vector.load %arg5[%swap3A, %swap3A_22] : memref<256x1xi32, #tpu.memory_space<vmem>>, vector<256x1xi32>
    tpu.vector_store %arg5[%swap3A, %swap3A_22], %broadcast_in_dim3A_21 {strides = array<i32>} : memref<256x1xi32, #tpu.memory_space<vmem>>, vector<256x1xi32>,
    %reduce_sum3A = arith.constant dense<0.000000e+00> : vector<1xf32>
    %reduce_sum3A_24 = vector.multi_reduction <add>, %broadcast_in_dim3A, %reduce_sum3A [0] : vector<256x1xf32> to vector<1xf32>
    %broadcast_in_dim3A_25 = vector.shape_cast %reduce_sum3A_24 : vector<1xf32> to vector<1x1xf32>
    %eq3A_26 = arith.constant 0 : i32
    %eq3A_27 = arith.cmpi eq, %arg0, %eq3A_26 : i32
    %convert_element_type3A = arith.extui %eq3A_27 : i1 to i32
    %cond3A = arith.constant 0 : i32
    %cond3A_28 = arith.cmpi ne, %convert_element_type3A, %cond3A : i32
    scf.if %cond3A_28 {
      %swap3A_33 = arith.constant 0 : index
      %swap3A_34 = arith.constant 0 : index
      %swap3A_35 = vector.load %arg6[%swap3A_33, %swap3A_34] : memref<1x1xf32, #tpu.memory_space<vmem>>, vector<1x1xf32>
      tpu.vector_store %arg6[%swap3A_33, %swap3A_34], %broadcast_in_dim3A_25 {strides = array<i32>} : memref<1x1xf32, #tpu.memory_space<vmem>>, vector<1x1xf32>,
    } else {
    }
    %gt3A = arith.constant 0 : i32
    %gt3A_29 = arith.cmpi sgt, %arg0, %gt3A : i32
    %convert_element_type3A_30 = arith.extui %gt3A_29 : i1 to i32
    %cond3A_31 = arith.constant 0 : i32
    %cond3A_32 = arith.cmpi ne, %convert_element_type3A_30, %cond3A_31 : i32
    scf.if %cond3A_32 {
      %get3A_33 = arith.constant 0 : index
      %get3A_34 = arith.constant 0 : index
      %get3A_35 = vector.load %arg6[%get3A_33, %get3A_34] : memref<1x1xf32, #tpu.memory_space<vmem>>, vector<1x1xf32>
      %add3A_36 = arith.addf %get3A_35, %broadcast_in_dim3A_25 : vector<1x1xf32>
      %swap3A_37 = arith.constant 0 : index
      %swap3A_38 = arith.constant 0 : index
      %swap3A_39 = vector.load %arg6[%swap3A_37, %swap3A_38] : memref<1x1xf32, #tpu.memory_space<vmem>>, vector<1x1xf32>
      tpu.vector_store %arg6[%swap3A_37, %swap3A_38], %add3A_36 {strides = array<i32>} : memref<1x1xf32, #tpu.memory_space<vmem>>, vector<1x1xf32>,
    } else {
    }
    return
  }
  func.func @transform_0(%arg0: i32) -> (i32, i32) {
    %c0_i32 = arith.constant 0 : i32
    %c0_i32_0 = arith.constant 0 : i32
    return %arg0, %c0_i32 : i32, i32
  }
  func.func @transform_1(%arg0: i32) -> (i32, i32) {
    %c0_i32 = arith.constant 0 : i32
    %c0_i32_0 = arith.constant 0 : i32
    return %arg0, %c0_i32 : i32, i32
  }
  func.func @transform_2(%arg0: i32) -> (i32, i32) {
    %c0_i32 = arith.constant 0 : i32
    %c0_i32_0 = arith.constant 0 : i32
    %c0_i32_1 = arith.constant 0 : i32
    return %c0_i32, %c0_i32_0 : i32, i32
  }
  func.func @transform_3(%arg0: i32) -> (i32, i32) {
    %c0_i32 = arith.constant 0 : i32
    %c0_i32_0 = arith.constant 0 : i32
    %c0_i32_1 = arith.constant 0 : i32
    return %c0_i32, %c0_i32_0 : i32, i32
  }
  func.func @transform_4(%arg0: i32) -> (i32, i32) {
    %c0_i32 = arith.constant 0 : i32
    %c0_i32_0 = arith.constant 0 : i32
    return %arg0, %c0_i32 : i32, i32
  }
  func.func @transform_5(%arg0: i32) -> (i32, i32) {
    %c0_i32 = arith.constant 0 : i32
    %c0_i32_0 = arith.constant 0 : i32
    %c0_i32_1 = arith.constant 0 : i32
    return %c0_i32, %c0_i32_0 : i32, i32
  }
}

</mosaic_0001>

<sc_bundles>
// kernel: kernel.5.cloned.1.call-start
scs
__scs_entry_jumppad:
0x0: {  	(pc) =	sbr.rel $0x88, $3  }
0x1: {  	(tag) =	ssettag $0x0;
	lr =	simm.s32 $0x1  }
0x2: {  	[smem:$0x3F99] =	sst lr;
	_ =	strace $0xD0000000  }
0x3: {  	_ = 	snop  }
0x4: {  	_ = 	snop  }
0x5: {  	_ = 	snop  }
0x6: {  	_ = 	snop  }
0x7: {  	_ = 	snop  }
__scs_overlays_trampoline_lowered:
0x8: {  	[smem:$0x3FA8] =	sst s0  }
0x9: {  	[smem:$0x3FA9] =	sst s1  }
0xa: {  	[smem:$0x3FAA] =	sst s2  }
0xb: {  	[smem:$0x3FAB] =	sst s3  }
0xc: {  	[smem:$0x3FAC] =	sst s4  }
0xd: {  	[smem:$0x3FAD] =	sst s5  }
0xe: {  	[smem:$0x3FAE] =	sst s6  }
0xf: {  	[smem:$0x3FAF] =	sst s7  }
0x10: {  	[smem:$0x3FB0] =	sst s8  }
0x11: {  	[smem:$0x3FB1] =	sst s9;
	s0 =	simm.s32 @!p0 $0x0  }
0x12: {  	s1 =	sld [smem:$0x3F97];
	s0 =	simm.s32 @p0 $0x1  }
0x13: {  	[smem:$0x3FB2] =	sst s0;
	s0 =	simm.s32 @!p1 $0x0  }
0x14: {  	s2 =	sld [smem:$0x3F96];
	s0 =	simm.s32 @p1 $0x1  }
0x15: {  	[smem:$0x3FB3] =	sst s0;
	s0 =	simm.s32 @!p2 $0x0  }
0x16: {  	s3 =	sld [smem:$0x3FDB];
	s0 =	simm.s32 @p2 $0x1  }
0x17: {  	s4 =	simm.s32 $0x1BF5;
	[smem:$0x3FB5] =	sst s0  }
0x18: {  	s0 =	sld [smem:$0x3F98];
	_ =	swait.ge [sflag:s4], $0x0  }
0x19: {  	s7 =	sld [smem:$0x3F99]  }
0x1a: {  	s8 =	sadd.s32 $0xFFFFE003, lr  }
0x1b: {  	s9 =	sadd.s32 $0xFFFFFEF7, lr;
	s5 =	simm.s32 $0xFFFFFFFF;
	p2 =	slt.u32 s8, $0xFFFFF086  }
0x1c: {  	p1 =	slt.u32 s9, $0xF7A;
	s5 =	simm.s32 @!p2 $0x0  }
0x1d: {  	s5 =	simm.s32 @p1 $0x1;
	p0 =	seq.s32 s7, s2  }
0x1e: {  	s7 =	smul.u32 @!p0 $0xF7A, s2;
	p2 =	seq.s32 @!p0 s5, $0x0  }
0x1f: {  	s9 =	smul.u32 $0xF7A, s1;
	s8 =	simm.s32 @!p0 $0x1BF5;
	p2 =	por !p2, p0  }
0x20: {  	[sflag:s8] =	ssyncset.s32 @!p0 $0xFFFFF086;
	s6 =	sadd.s32 @!p0 s3, s7;
	s7 =	simm.s32 @!p0 $0x108  }
0x21: {  	s3 =	sadd.s32 s3, s9;
	s6 =	sadd.s32 @!p0 $0x88, s6;
	s7 =	simm.s32 @p2 $0x1082  }
0x22: {  	[simem:s7], [sflag:s8] =	dma.local @!p0 [hbm:s6], $0xF7A  }
0x23: {  	s9 =	sor.u32 $0xD0000000, s2;
	s6 =	simm.s32 $0x108;
	_ =	swait.ge @!p0 [sflag:s8], $0x0  }
0x24: {  	s3 =	sadd.s32 $0x88, s3;
	s6 =	simm.s32 @!p1 $0x1082;
	[sflag:s4] =	ssyncset.s32 $0xFFFFF086  }
0x25: {  	[simem:s6], [sflag:s4] =	dma.local [hbm:s3], $0xF7A  }
0x26: {  	[smem:$0x3F99] =	sst s1;
	(tag) =	ssettag s2;
	_ =	strace s9  }
0x27: {  	s1 =	sld [smem:$0x3FA9]  }
0x28: {  	s2 =	sld [smem:$0x3FAA]  }
0x29: {  	s4 =	sld [smem:$0x3FAC]  }
0x2a: {  	p0 =	seq.s32 s5, $0x0;
	s5 =	sld [smem:$0x3FAD]  }
0x2b: {  	s6 =	sld [smem:$0x3FAE]  }
0x2c: {  	s7 =	sld [smem:$0x3FAF]  }
0x2d: {  	s3 =	simm.s32 $0x108;
	s8 =	sld [smem:$0x3FB0]  }
0x2e: {  	s3 =	simm.s32 @!p0 $0x1082;
	s9 =	sld [smem:$0x3FB1]  }
0x2f: {  	lr =	sadd.s32 s0, s3;
	s0 =	sld [smem:$0x3FA8]  }
0x30: {  	s3 =	sld [smem:$0x3FAB]  }
0x31: {  	[smem:$0x3FB4] =	sst s10  }
0x32: {  	s10 =	sld [smem:$0x3FB2];
	_ =	sdelay $0x3  }
0x33: {  	p0 =	seq.s32 s10, $0x1;
	s10 =	sld [smem:$0x3FB4];
	_ =	sdelay $0x3  }
0x34: {  	[smem:$0x3FB4] =	sst s10  }
0x35: {  	s10 =	sld [smem:$0x3FB3];
	_ =	sdelay $0x3  }
0x36: {  	p1 =	seq.s32 s10, $0x1;
	s10 =	sld [smem:$0x3FB4];
	_ =	sdelay $0x3  }
0x37: {  	[smem:$0x3FB4] =	sst s10  }
0x38: {  	s10 =	sld [smem:$0x3FB5]  }
0x39: {  	_ = 	snop;
	(pc) =	sbr.ind lr, $3  }
0x3a: {  	_ = 	snop  }
0x3b: {  	_ = 	snop  }
0x3c: {  	p2 =	seq.s32 s10, $0x1;
	s10 =	sld [smem:$0x3FB4]  }
0x3d: {  	_ =	shalt  }
0x3e: {  	_ =	shalt  }
0x3f: {  	_ =	shalt  }
0x40: {  	_ =	shalt  }
0x41: {  	_ =	shalt  }
0x42: {  	_ =	shalt  }
0x43: {  	_ =	shalt  }
0x44: {  	_ =	shalt  }
0x45: {  	_ =	shalt  }
0x46: {  	_ =	shalt  }
0x47: {  	_ =	shalt  }
0x48: {  	_ =	shalt  }
0x49: {  	_ =	shalt  }
0x4a: {  	_ =	shalt  }
0x4b: {  	_ =	shalt  }
0x4c: {  	_ =	shalt  }
0x4d: {  	_ =	shalt  }
0x4e: {  	_ =	shalt  }
0x4f: {  	_ =	shalt  }
0x50: {  	_ =	shalt  }
0x51: {  	_ =	shalt  }
0x52: {  	_ =	shalt  }
0x53: {  	_ =	shalt  }
0x54: {  	_ =	shalt  }
0x55: {  	_ =	shalt  }
0x56: {  	_ =	shalt  }
0x57: {  	_ =	shalt  }
0x58: {  	_ =	shalt  }
0x59: {  	_ =	shalt  }
0x5a: {  	_ =	shalt  }
0x5b: {  	_ =	shalt  }
0x5c: {  	_ =	shalt  }
0x5d: {  	_ =	shalt  }
0x5e: {  	_ =	shalt  }
0x5f: {  	_ =	shalt  }
0x60: {  	_ =	shalt  }
0x61: {  	_ =	shalt  }
0x62: {  	_ =	shalt  }
0x63: {  	_ =	shalt  }
0x64: {  	_ =	shalt  }
0x65: {  	_ =	shalt  }
0x66: {  	_ =	shalt  }
0x67: {  	_ =	shalt  }
0x68: {  	_ =	shalt  }
0x69: {  	_ =	shalt  }
0x6a: {  	_ =	shalt  }
0x6b: {  	_ =	shalt  }
0x6c: {  	_ =	shalt  }
0x6d: {  	_ =	shalt  }
0x6e: {  	_ =	shalt  }
0x6f: {  	_ =	shalt  }
0x70: {  	_ =	shalt  }
0x71: {  	_ =	shalt  }
0x72: {  	_ =	shalt  }
0x73: {  	_ =	shalt  }
0x74: {  	_ =	shalt  }
0x75: {  	_ =	shalt  }
0x76: {  	_ =	shalt  }
0x77: {  	_ =	shalt  }
0x78: {  	_ =	shalt  }
0x79: {  	_ =	shalt  }
0x7a: {  	_ =	shalt  }
0x7b: {  	_ =	shalt  }
0x7c: {  	_ =	shalt  }
0x7d: {  	_ =	shalt  }
0x7e: {  	_ =	shalt  }
0x7f: {  	_ =	shalt  }
0x80: {  	_ =	shalt  }
0x81: {  	_ =	shalt  }
0x82: {  	_ =	shalt  }
0x83: {  	_ =	shalt  }
0x84: {  	_ =	shalt  }
0x85: {  	_ =	shalt  }
0x86: {  	_ =	shalt  }
0x87: {  	_ =	shalt  }
.Lfunc_end0:
.L_simem_size_0:
called_computation_lowered:
.L_overlay_start_0:
0x88: {  	s2 =	sld [smem:$0x3FD9]  }
0x89: {  	s3 =	sld [smem:$0x3FFE];
	_ =	sdelay $0x1  }
0x8a: {  	s1 =	srdreg.scid  }
0x8b: {  	s0 =	sand.u32 $0x1, s1  }
0x8c: {  	s14 =	sshll.u32 s0, $0xA;
	s2 =	sadd.s32 s3, s2  }
0x8d: {  	s2 =	sadd.s32 s2, s14  }
0x8e: {  	[smem:$0x3FC0] =	sst s2  }
0x8f: {  	_ = 	snop  }
0x90: {  	s2 =	sld [smem:$0x3FD0];
	_ =	sdelay $0x2  }
0x91: {  	s15 =	simm.s32 $0xA;
	s4 =	simm.s32 $0x10  }
0x92: {  	[smem:s4], [sflag:s15] =	dma.local [hbm:s2], $0x1  }
0x93: {  	_ =	swait.eq [sflag:s15], $0x1  }
0x94: {  	[sflag:s15] =	ssyncset.done $0x0  }
0x95: {  	[sflag:s15] =	ssyncadd.s32 $0xFFFFFFFF  }
0x96: {  	s16 =	sld [smem:$0x10];
	(tm) =	ssettm $0x1  }
0x97: {  	s17 =	sld [smem:$0x3FFB];
	_ =	sdelay $0x3  }
0x98: {  	_ =	strace s17  }
0x99: {  	s3 =	sld [smem:$0x3FFC];
	_ =	sdelay $0x3  }
0x9a: {  	_ =	strace s3  }
0x9b: {  	s3 =	sld [smem:$0x3FFD];
	_ =	sdelay $0x3  }
0x9c: {  	_ =	strace s3  }
0x9d: {  	_ =	strace $0x8FFFFFFF  }
0x9e: {  	s18 =	sld [smem:$0x3FDB];
	_ =	sdelay $0x1  }
0x9f: {  	s19 =	simm.s32 $_scs_section_size  }
0xa0: {  	s5 =	simm.s32 $_size__tile_overlayer_lowered;
	s6 =	simm.s32 $_tile_overlayer_lowered  }
0xa1: {  	s22 =	simm.s32 $0x1BFF;
	s21 =	sshll.u32 s6, $0x1;
	s3 =	sadd.s32 s19, s18  }
0xa2: {  	s7 =	simm.s32 $0x0;
	s20 =	sshll.u32 s5, $0x1;
	s5 =	sadd.s32 s21, s3  }
0xa3: {  	[timem:s7], [sflag:s22] =	dma.local [hbm:s5], s20  }
0xa4: {  	_ =	swait.ge [sflag:s22], s20  }
0xa5: {  	s4 =	ssub.s32 $0x0, s20;
	[sflag:s22] =	ssyncset.done $0x0  }
0xa6: {  	[sflag:s22] =	ssyncadd.s32 s4;
	_ =	sdelay $0x1  }
0xa7: {  	s23 =	simm.s32 $0x1B8B  }
0xa8: {  	_ =	swait.ge [sflag:s23], $0x1  }
0xa9: {  	[sflag:s23] =	ssyncset.done $0x0  }
0xaa: {  	s25 =	simm.s32 $0x1B8E;
	s24 =	sld [smem:$0x3FFE];
	[sflag:s23] =	ssyncadd.s32 $0xFFFFFFFF  }
0xab: {  	s26 =	simm.s32 $execute0_lowered;
	[smem:$0x3FD2] =	sst s25  }
0xac: {  	s5 =	sshll.u32 s26, $0x1;
	_ =	strace $0x80000046;
	[dreg:$0x1] =	wrdreg $0xFFFFFFFF  }
0xad: {  	s28 =	simm.s32 $_size_execute0_lowered;
	s3 =	sadd.s32 s3, s5;
	[dreg:$0x0] =	wrdreg $0x0  }
0xae: {  	s5 =	sshll.u32 s28, $0x1;
	[dreg:$0x2] =	wrdreg s3  }
0xaf: {  	[dreg:$0x3] =	wrdreg s5  }
0xb0: {  	[dreg:$0x4] =	wrdreg $0xC0  }
0xb1: {  	_ =	task [dreg:s7], $0x5FFFF  }
0xb2: {  	[dreg:$0x1] =	wrdreg $0xFFFFFFFF  }
0xb3: {  	[dreg:$0x0] =	wrdreg $0x60  }
0xb4: {  	[dreg:$0x2] =	wrdreg s16  }
0xb5: {  	[dreg:$0x3] =	wrdreg s24  }
0xb6: {  	[dreg:$0x4] =	wrdreg $0x9  }
0xb7: {  	_ =	task.clear_ibuf [dreg:s7], $0x5FFFF;
	_ =	strace $0x90000046  }
0xb8: {  	s29 =	simm.s32 $0x9;
	_ =	strace $0x80000048  }
0xb9: {  	_ =	swait.ge [sflag:s29], $0x1  }
0xba: {  	[sflag:s29] =	ssyncadd.s32 $0xFFFFFFFF  }
0xbb: {  	_ =	strace $0x90000048  }
0xbc: {  	_ =	sfence  }
0xbd: {  	s30 =	sld [smem:$0x0];
	_ =	sdelay $0x2  }
0xbe: {  	s31 =	sshll.u32 s1, $0xD;
	s1 =	sshrl.u32 s1, $0x2  }
0xbf: {  	s3 =	sand.u32 $0x4000, s31;
	s1 =	sadd.s32 s1, s30  }
0xc0: {  	s0 =	sor.u32 s3, s0;
	s1 =	sshll.u32 s1, $0x11  }
0xc1: {  	s0 =	sor.u32 s1, s0  }
0xc2: {  	s0 =	sadd.s32 $0x8F2B, s0  }
0xc3: {  	[sflag:s0] =	ssyncadd.remote.s32 $0x1  }
0xc4: {  	_ =	sfence.sel $0xFFFF  }
0xc5: {  	[dreg:$0x0] =	wrdreg $0xFFFFFFFF;
	(pc) =	sbr.abs _section_cstart, $3  }
0xc6: {  	[dreg:$0x1] =	wrdreg $0xFFFFFFFF  }
0xc7: {  	_ =	task.clear_ibuf [dreg:s7], $0x2FFFF;
	_ =	strace $0x9FFFFFFF  }
0xc8: {  	(tm) =	ssettm $0x7FFFFFFF  }
0xc9: {  	_ =	shalt  }
tec
execute0_lowered:
.L_overlay_start_1:
0x0: {  	(tag) =	ssettag $0x1  }
0x1: {  	s1 =	srdreg.scid  }
0x2: {  	s0 =	stileid.u32;
	s14 =	sand.u32 $0x1, s1  }
0x3: {  	s2 =	rddreg [dreg:$0x0];
	s29 =	sshll.u32 s0, $0xA;
	s3 =	sshll.u32 s14, $0x9  }
0x4: {  	s15 =	rddreg [dreg:$0x1];
	s16 =	sor.u32 s3, s29  }
0x5: {  	s1 =	rddreg [dreg:$0x2];
	s3 =	simm.s32 $0x0;
	s4 =	sshrl.u32 s16, $0x3  }
0x6: {  	[smem:$0x7FF] =	sst s3;
	s4 =	sadd.s32 s4, s15  }
0x7: {  	_ =	strace $0x80000047;
	s5 =	sadd.s32 $0x200, s4;
	s4 =	simm.s32 $0x2  }
0x8: {  	[tilespmem:s3], [sflag:$0x2] =	stream.linear.gather [hbm4b:s5+s3], $0x200, $0x38;
	[tilespmem:$0x10200] =	vst v63  }
0x9: {  	_ =	swait.ge [sflag:s4], $0x200  }
0xa: {  	[sflag:s4] =	ssyncset.done $0x0  }
0xb: {  	s6 =	simm.s32 $0x80;
	s7 =	simm.s32 $0x200;
	[sflag:s4] =	ssyncadd.s32 $0xFFFFFE00  }
0xc: {  	[tilespmem:s7], [sflag:$0x1] =	stream.indirect.gather [hbm4b:s2+s6], $0x80, s3, s6, $0xb8;
	[tilespmem:$0x10200] =	vst v63  }
0xd: {  	s8 =	simm.s32 $0x4200  }
0xe: {  	[tilespmem:s8], [sflag:$0x1] =	stream.indirect.gather [hbm4b:s2+s6], $0x80, s6, s6, $0xb8;
	[tilespmem:$0x10200] =	vst v63  }
0xf: {  	s9 =	simm.s32 $0x100;
	s10 =	simm.s32 $0x8200  }
0x10: {  	[tilespmem:s10], [sflag:$0x1] =	stream.indirect.gather [hbm4b:s2+s6], $0x80, s9, s6, $0xb8;
	[tilespmem:$0x10200] =	vst v63  }
0x11: {  	s11 =	simm.s32 $0x180;
	s12 =	simm.s32 $0xC200;
	s13 =	simm.s32 $0x1  }
0x12: {  	[tilespmem:s12], [sflag:$0x1] =	stream.indirect.gather [hbm4b:s2+s6], $0x80, s11, s6, $0xb8;
	[tilespmem:$0x10200] =	vst v63  }
0x13: {  	_ =	swait.ge [sflag:s13], $0x4000  }
0x14: {  	[sflag:s13] =	ssyncset.done $0x0  }
0x15: {  	[sflag:s13] =	ssyncadd.s32 $0xFFFFC000  }
0x16: {  	_ =	swait.ge [sflag:s13], $0x4000  }
0x17: {  	[sflag:s13] =	ssyncset.done $0x0  }
0x18: {  	s14 =	ssub.s32 $0x2, s14;
	[sflag:s13] =	ssyncadd.s32 $0xFFFFC000  }
0x19: {  	s17 =	sshrl.u32 s14, $0x1;
	_ =	swait.ge [sflag:s13], $0x4000  }
0x1a: {  	s30 =	ssub.s32 s14, s17;
	[sflag:s13] =	ssyncset.done $0x0  }
0x1b: {  	s31 =	smax.u32 s30, $0x1;
	[sflag:s13] =	ssyncadd.s32 $0xFFFFC000  }
0x1c: {  	s16 =	sshll.u32 s16, $0x4;
	p0 =	sne.s32 s31, $0x1;
	_ =	swait.ge [sflag:s13], $0x4000  }
.Ltmp0:
0x1d: {  	s15 =	sadd.s32 s16, s15;
	[sflag:s13] =	ssyncset.done $0x0;
	(pc) =	sbr.rel @!p0 .LBB2_2-.Ltmp0, $4  }
0x1e: {  	s14 =	sadd.s32 $0xA00, s15;
	[sflag:s13] =	ssyncadd.s32 $0xFFFFC000  }
0x1f: {  	[hbm4b:s14+s3] =	stream.linear.scatter [tilespmem:s7], [sflag:$0x2], $0x10000, $0x38;
	[tilespmem:$0x10200] =	vst v63  }
0x20: {  	_ =	swait.ge [sflag:s4], $0x10000  }
0x21: {  	s15 =	sadd.s32 $0xFFFFFFFF, s31;
	[sflag:s4] =	ssyncset.done $0x0  }
.LBB2_1:
0x22: {  	p0 =	sne.s32 s15, $0x1;
	s15 =	sadd.s32 $0xFFFFFFFF, s15;
	[sflag:s4] =	ssyncadd.s32 $0xFFFF0000  }
0x23: {  	[tilespmem:s3], [sflag:$0x2] =	stream.linear.gather [hbm4b:s5+s3], $0x200, $0x38;
	[tilespmem:$0x10200] =	vst v63  }
0x24: {  	_ =	swait.ge [sflag:s4], $0x200  }
0x25: {  	[sflag:s4] =	ssyncset.done $0x0  }
0x26: {  	[sflag:s4] =	ssyncadd.s32 $0xFFFFFE00  }
0x27: {  	[tilespmem:s7], [sflag:$0x1] =	stream.indirect.gather [hbm4b:s2+s6], $0x80, s3, s6, $0xb8;
	[tilespmem:$0x10200] =	vst v63  }
0x28: {  	_ = 	snop  }
0x29: {  	[tilespmem:s8], [sflag:$0x1] =	stream.indirect.gather [hbm4b:s2+s6], $0x80, s6, s6, $0xb8;
	[tilespmem:$0x10200] =	vst v63  }
0x2a: {  	_ = 	snop  }
0x2b: {  	[tilespmem:s10], [sflag:$0x1] =	stream.indirect.gather [hbm4b:s2+s6], $0x80, s9, s6, $0xb8;
	[tilespmem:$0x10200] =	vst v63  }
0x2c: {  	_ = 	snop  }
0x2d: {  	[tilespmem:s12], [sflag:$0x1] =	stream.indirect.gather [hbm4b:s2+s6], $0x80, s11, s6, $0xb8;
	[tilespmem:$0x10200] =	vst v63  }
0x2e: {  	_ =	swait.ge [sflag:s13], $0x4000  }
0x2f: {  	[sflag:s13] =	ssyncset.done $0x0  }
0x30: {  	[sflag:s13] =	ssyncadd.s32 $0xFFFFC000  }
0x31: {  	_ =	swait.ge [sflag:s13], $0x4000  }
0x32: {  	[sflag:s13] =	ssyncset.done $0x0  }
0x33: {  	[sflag:s13] =	ssyncadd.s32 $0xFFFFC000  }
0x34: {  	_ =	swait.ge [sflag:s13], $0x4000  }
0x35: {  	[sflag:s13] =	ssyncset.done $0x0  }
0x36: {  	[sflag:s13] =	ssyncadd.s32 $0xFFFFC000  }
0x37: {  	_ =	swait.ge [sflag:s13], $0x4000  }
.Ltmp1:
0x38: {  	[sflag:s13] =	ssyncset.done $0x0;
	(pc) =	sbr.rel @p0 .LBB2_1-.Ltmp1, $4  }
0x39: {  	[sflag:s13] =	ssyncadd.s32 $0xFFFFC000  }
0x3a: {  	[hbm4b:s14+s3] =	stream.linear.scatter [tilespmem:s7], [sflag:$0x2], $0x10000, $0x38;
	[tilespmem:$0x10200] =	vst v63  }
0x3b: {  	_ =	swait.ge [sflag:s4], $0x10000  }
0x3c: {  	[sflag:s4] =	ssyncset.done $0x0  }
.LBB2_2:
0x3d: {  	[sflag:s4] =	ssyncadd.s32 $0xFFFF0000  }
0x3e: {  	_ =	sfence.sel $0x180000  }
0x3f: {  	[bflag:$0x0] =	sbarrier.arrive $0xFFFF  }
0x40: {  	p0 =	sne.s32 s0, $0x0;
	_ =	strace $0x90000047  }
0x41: {  	s0 =	sadd.s32 @!p0 $0x100000, s1;
	[bflag:$0x2] =	sbarrier.arrive $0xFFFF  }
0x42: {  	[sflag:s0] =	ssyncadd.tile.s32 @!p0 $0x1;
	_ =	shalt  }
.Lfunc_end2:
_tile_overlayer_lowered:
.L_overlay_start_2:
0x43: {  	(tag) =	ssettag $0x2  }
0x44: {  	s0 =	rddreg [dreg:$0x0];
	s2 =	stileid.u32  }
0x45: {  	s1 =	rddreg [dreg:$0x1];
	p0 =	sne.s32 s2, $0x0  }
0x46: {  	s3 =	rddreg [dreg:$0x2];
	[bflag:$0x3] =	sbarrier.arrive $0xFFFF;
	s2 =	simm.s32 @!p0 $0x1C02  }
0x47: {  	[timem:s3], [sflag:s2] =	dma.local @!p0 [hbm:s0], s1  }
0x48: {  	s0 =	simm.s32 @!p0 $0x2  }
0x49: {  	_ =	swait.ge @!p0 [sflag:s0], s1  }
0x4a: {  	s1 =	ssub.s32 @!p0 $0x0, s1;
	[sflag:s0] =	ssyncset.done @!p0 $0x0  }
0x4b: {  	[sflag:s0] =	ssyncadd.s32 @!p0 s1  }
0x4c: {  	[bflag:$0x3] =	sbarrier.arrive $0xFFFF  }
0x4d: {  	_ =	shalt  }

</sc_bundles>
